<compile_context>
chip_gen: v7x
topology: tpu7x:2x2x1
jax: 0.10.2.dev20260603
libtpu: 0.0.44.dev20260713+nightly
codegen_flags: <defaults>
</compile_context>

<pallas_src>
import jax
import jax.numpy as jnp
from jax import lax
from jax.experimental import pallas as pl
from jax.experimental.pallas import tpu as pltpu
from jax.experimental.pallas import tpu_sc as plsc

SEG_LEN = 32
OUT_LEN = 1056
ZERO_ROWS = 1008
ZBLK = 2
N_CHUNKS = ZERO_ROWS // ZBLK
NC = 2
NS = 16
NW = NC * NS


def kernel(current_segment):
    seg_len, batch, emb = current_segment.shape
    mesh = plsc.VectorSubcoreMesh(core_axis_name="c", subcore_axis_name="s")

    @pl.kernel(
        mesh=mesh,
        out_type=jax.ShapeDtypeStruct(
            (OUT_LEN, batch, emb), current_segment.dtype
        ),
        scratch_types=[
            pltpu.VMEM((ZBLK, batch, emb), current_segment.dtype),
            pltpu.VMEM((batch, emb), current_segment.dtype),
            pltpu.SemaphoreType.DMA,
        ],
    )
    def sc_kernel(seg_hbm, out_hbm, zbuf, rbuf, sem):
        wid = lax.axis_index("s") * NC + lax.axis_index("c")

        zero16 = jnp.zeros((16,), dtype=zbuf.dtype)

        @pl.loop(0, ZBLK)
        def _(a):
            @pl.loop(0, batch)
            def _(b):
                @pl.loop(0, emb, step=16)
                def _(c):
                    zbuf[a, b, pl.ds(c, 16)] = zero16

        @pl.loop(wid, N_CHUNKS, step=NW)
        def _(chunk):
            pltpu.async_copy(
                zbuf, out_hbm.at[pl.ds(chunk * ZBLK, ZBLK)], sem
            ).wait()

        @pl.loop(wid, 48, step=NW)
        def _(t):
            src = jnp.where(t < 16, 2 * t, t - 16)
            pltpu.async_copy(seg_hbm.at[src], rbuf, sem).wait()
            pltpu.async_copy(rbuf, out_hbm.at[ZERO_ROWS + t], sem).wait()

    return sc_kernel(current_segment)

# --- scband reference (transcript-rebuilt; emitter-appended) ---
"""Pipeline reference for scband-ring-memory-20710332301849 (READ-ONLY COPY).

The authoritative reference and input builder live on the scoring server;
editing this copy changes nothing except your own understanding.
"""

import jax, jax.numpy as jnp
import numpy as np

MEMORY_LEN = 64
SEG_LEN = 32
EMB_DIM = 512
BATCH = 64
GAP = 2


def setup_inputs(seed: int = 0) -> dict:
    key = jax.random.key(seed)
    current_segment = jax.random.normal(key, (SEG_LEN, BATCH, EMB_DIM), dtype=jnp.float32)
    return {"current_segment": current_segment}


def reference(current_segment):
    # Module starts with queue=None -> reset() fills it with zeros on first update.
    B = current_segment.shape[1]
    queue = jnp.zeros((MEMORY_LEN * SEG_LEN, B, EMB_DIM), dtype=current_segment.dtype)
    # seg = current_segment.detach()
    seg = jax.lax.stop_gradient(current_segment)
    # rolling queue update: drop oldest seg_len rows, append new segment
    queue = jnp.concatenate([queue[SEG_LEN:], seg], axis=0)
    # strided read of the memory bank + current segment
    memory_feats = jnp.concatenate([queue[::GAP], seg], axis=0)
    return memory_feats

if __name__ == "__main__":
    import jax
    _d = setup_inputs()
    print(jax.jit(kernel)(*tuple(_d.values())))

</pallas_src>

<mosaic_0001>
#map = affine_map<(d0, d1) -> (0, 0, 0)>
module attributes {stable_mosaic.version = 14 : i64} {
  func.func @sc_kernel(%arg0: i32, %arg1: i32, %arg2: memref<32x64x512xf32, #tpu.memory_space<hbm>>, %arg3: memref<1056x64x512xf32, #tpu.memory_space<hbm>>, %arg4: memref<2x64x512xf32, #tpu.memory_space<vmem>>, %arg5: memref<64x512xf32, #tpu.memory_space<vmem>>, %arg6: memref<!tpu.dma_semaphore, #tpu.memory_space<semaphore_mem>>) attributes {dimension_semantics = [#tpu.dimension_semantics<core_parallel>, #tpu.dimension_semantics<subcore_parallel>], iteration_bounds = array<i64: 2, 16>, scalar_prefetch = 0 : i64, scratch_operands = 3 : i64, tpu.core_type = #tpu.core_type<sc_vector_subcore>, window_params = [{transform_indices = #map}, {transform_indices = #map}]} {
    %mul3A = arith.constant 2 : i32
    %mul3A_0 = arith.muli %arg1, %mul3A : i32
    %add3A = arith.addi %mul3A_0, %arg0 : i32
    %broadcast_in_dim3A = arith.constant 0.000000e+00 : f32
    %broadcast_in_dim3A_1 = vector.broadcast %broadcast_in_dim3A : f32 to vector<16xf32>
    %scan3A = arith.constant 0 : i32
    %scan3A_2 = arith.constant 2 : i32
    %scan3A_3 = arith.addi %scan3A, %scan3A_2 : i32
    %scan3A_4 = arith.constant 1 : i32
    scf.for %scan3A_39 = %scan3A to %scan3A_3 step %scan3A_4  : i32 {
      %mul3A_40 = arith.constant 1 : i32
      %mul3A_41 = arith.muli %scan3A_39, %mul3A_40 : i32
      %add3A_42 = arith.constant 0 : i32
      %add3A_43 = arith.addi %add3A_42, %mul3A_41 : i32
      %scan3A_44 = arith.constant 0 : i32
      %scan3A_45 = arith.constant 64 : i32
      %scan3A_46 = arith.addi %scan3A_44, %scan3A_45 : i32
      %scan3A_47 = arith.constant 1 : i32
      scf.for %scan3A_49 = %scan3A_44 to %scan3A_46 step %scan3A_47  : i32 {
        %mul3A_50 = arith.constant 1 : i32
        %mul3A_51 = arith.muli %scan3A_49, %mul3A_50 : i32
        %add3A_52 = arith.constant 0 : i32
        %add3A_53 = arith.addi %add3A_52, %mul3A_51 : i32
        %scan3A_54 = arith.constant 0 : i32
        %scan3A_55 = arith.constant 32 : i32
        %scan3A_56 = arith.addi %scan3A_54, %scan3A_55 : i32
        %scan3A_57 = arith.constant 1 : i32
        scf.for %scan3A_59 = %scan3A_54 to %scan3A_56 step %scan3A_57  : i32 {
          %mul3A_60 = arith.constant 16 : i32
          %mul3A_61 = arith.muli %scan3A_59, %mul3A_60 : i32
          %add3A_62 = arith.constant 0 : i32
          %add3A_63 = arith.addi %add3A_62, %mul3A_61 : i32
          %swap3A = arith.index_cast %add3A_43 : i32 to index
          %swap3A_64 = arith.index_cast %add3A_53 : i32 to index
          %swap3A_65 = arith.index_cast %add3A_63 : i32 to index
          %swap3A_66 = tpu.vector_load %arg4[%swap3A, %swap3A_64, %swap3A_65] {strides = array<i32>} : memref<2x64x512xf32, #tpu.memory_space<vmem>>, vector<1x1x16xf32>,
          %swap3A_67 = vector.shape_cast %swap3A_66 : vector<1x1x16xf32> to vector<16xf32>
          %swap3A_68 = vector.shape_cast %broadcast_in_dim3A_1 : vector<16xf32> to vector<1x1x16xf32>
          tpu.vector_store %arg4[%swap3A, %swap3A_64, %swap3A_65], %swap3A_68 {strides = array<i32>} : memref<2x64x512xf32, #tpu.memory_space<vmem>>, vector<1x1x16xf32>,
        }
        %scan3A_58 = arith.constant 32 : i32
      }
      %scan3A_48 = arith.constant 64 : i32
    }
    %scan3A_5 = arith.constant 2 : i32
    %sub3A = arith.constant 504 : i32
    %sub3A_6 = arith.subi %sub3A, %add3A : i32
    %sub3A_7 = arith.constant 32 : i32
    %sub3A_8 = arith.constant 1 : i32
    %sub3A_9 = arith.subi %sub3A_7, %sub3A_8 : i32
    %add3A_10 = arith.addi %sub3A_6, %sub3A_9 : i32
    %div3A = arith.constant 32 : i32
    %div3A_11 = arith.divsi %add3A_10, %div3A : i32
    %while3A = arith.constant 32 : i32
    %while3A_12 = arith.constant 0 : i32
    %while3A_13 = arith.subi %div3A_11, %while3A_12 : i32
    %while3A_14 = arith.addi %while3A_12, %while3A_13 : i32
    %while3A_15 = arith.constant 1 : i32
    %while3A_16 = arith.divsi %while3A_13, %while3A_15 : i32
    %while3A_17 = arith.muli %while3A_16, %while3A_15 : i32
    %while3A_18 = arith.addi %while3A_12, %while3A_17 : i32
    %while3A_19 = arith.constant 1 : i32
    scf.for %while3A_39 = %while3A_12 to %while3A_18 step %while3A_19  : i32 {
      %mul3A_40 = arith.muli %while3A_39, %while3A : i32
      %add3A_41 = arith.addi %add3A, %mul3A_40 : i32
      %mul3A_42 = arith.constant 2 : i32
      %mul3A_43 = arith.muli %add3A_41, %mul3A_42 : i32
      %dma_start3A = arith.constant 0 : i32
      %dma_start3A_44 = arith.constant 0 : i32
      %dma_start3A_45 = tpu.memref_slice %arg3[%mul3A_43, %dma_start3A, %dma_start3A_44] : memref<1056x64x512xf32, #tpu.memory_space<hbm>> -> memref<2x64x512xf32, #tpu.memory_space<hbm>>
      %dma_start3A_46 = arith.constant 0 : i32
      %dma_start3A_47 = arith.constant 0 : i32
      %dma_start3A_48 = tpu.memref_slice %arg3[%mul3A_43, %dma_start3A_46, %dma_start3A_47] : memref<1056x64x512xf32, #tpu.memory_space<hbm>> -> memref<2x64x512xf32, #tpu.memory_space<hbm>>
      tpu.enqueue_dma source(%arg4 : memref<2x64x512xf32, #tpu.memory_space<vmem>>) target(%dma_start3A_48 : memref<2x64x512xf32, #tpu.memory_space<hbm>>) target_semaphore(%arg6 : memref<!tpu.dma_semaphore, #tpu.memory_space<semaphore_mem>>)
      %dma_wait3A = arith.constant 0 : i32
      %dma_wait3A_49 = arith.constant 0 : i32
      %dma_wait3A_50 = tpu.memref_slice %arg3[%mul3A_43, %dma_wait3A, %dma_wait3A_49] : memref<1056x64x512xf32, #tpu.memory_space<hbm>> -> memref<2x64x512xf32, #tpu.memory_space<hbm>>
      %dma_wait3A_51 = arith.constant 0 : i32
      %dma_wait3A_52 = arith.constant 0 : i32
      %dma_wait3A_53 = tpu.memref_slice %arg3[%mul3A_43, %dma_wait3A_51, %dma_wait3A_52] : memref<1056x64x512xf32, #tpu.memory_space<hbm>> -> memref<2x64x512xf32, #tpu.memory_space<hbm>>
      tpu.wait_dma2 semaphore(%arg6 : memref<!tpu.dma_semaphore, #tpu.memory_space<semaphore_mem>>) src(%arg4 : memref<2x64x512xf32, #tpu.memory_space<vmem>>) dst(%dma_wait3A_53 : memref<2x64x512xf32, #tpu.memory_space<hbm>>)
    }
    %while3A_20 = arith.constant 1 : i32
    scf.for %while3A_39 = %while3A_18 to %while3A_14 step %while3A_20  : i32 {
      %mul3A_40 = arith.muli %while3A_39, %while3A : i32
      %add3A_41 = arith.addi %add3A, %mul3A_40 : i32
      %mul3A_42 = arith.constant 2 : i32
      %mul3A_43 = arith.muli %add3A_41, %mul3A_42 : i32
      %dma_start3A = arith.constant 0 : i32
      %dma_start3A_44 = arith.constant 0 : i32
      %dma_start3A_45 = tpu.memref_slice %arg3[%mul3A_43, %dma_start3A, %dma_start3A_44] : memref<1056x64x512xf32, #tpu.memory_space<hbm>> -> memref<2x64x512xf32, #tpu.memory_space<hbm>>
      %dma_start3A_46 = arith.constant 0 : i32
      %dma_start3A_47 = arith.constant 0 : i32
      %dma_start3A_48 = tpu.memref_slice %arg3[%mul3A_43, %dma_start3A_46, %dma_start3A_47] : memref<1056x64x512xf32, #tpu.memory_space<hbm>> -> memref<2x64x512xf32, #tpu.memory_space<hbm>>
      tpu.enqueue_dma source(%arg4 : memref<2x64x512xf32, #tpu.memory_space<vmem>>) target(%dma_start3A_48 : memref<2x64x512xf32, #tpu.memory_space<hbm>>) target_semaphore(%arg6 : memref<!tpu.dma_semaphore, #tpu.memory_space<semaphore_mem>>)
      %dma_wait3A = arith.constant 0 : i32
      %dma_wait3A_49 = arith.constant 0 : i32
      %dma_wait3A_50 = tpu.memref_slice %arg3[%mul3A_43, %dma_wait3A, %dma_wait3A_49] : memref<1056x64x512xf32, #tpu.memory_space<hbm>> -> memref<2x64x512xf32, #tpu.memory_space<hbm>>
      %dma_wait3A_51 = arith.constant 0 : i32
      %dma_wait3A_52 = arith.constant 0 : i32
      %dma_wait3A_53 = tpu.memref_slice %arg3[%mul3A_43, %dma_wait3A_51, %dma_wait3A_52] : memref<1056x64x512xf32, #tpu.memory_space<hbm>> -> memref<2x64x512xf32, #tpu.memory_space<hbm>>
      tpu.wait_dma2 semaphore(%arg6 : memref<!tpu.dma_semaphore, #tpu.memory_space<semaphore_mem>>) src(%arg4 : memref<2x64x512xf32, #tpu.memory_space<vmem>>) dst(%dma_wait3A_53 : memref<2x64x512xf32, #tpu.memory_space<hbm>>)
    }
    %sub3A_21 = arith.constant 48 : i32
    %sub3A_22 = arith.subi %sub3A_21, %add3A : i32
    %sub3A_23 = arith.constant 32 : i32
    %sub3A_24 = arith.constant 1 : i32
    %sub3A_25 = arith.subi %sub3A_23, %sub3A_24 : i32
    %add3A_26 = arith.addi %sub3A_22, %sub3A_25 : i32
    %div3A_27 = arith.constant 32 : i32
    %div3A_28 = arith.divsi %add3A_26, %div3A_27 : i32
    %while3A_29 = arith.constant 32 : i32
    %while3A_30 = arith.constant 0 : i32
    %while3A_31 = arith.subi %div3A_28, %while3A_30 : i32
    %while3A_32 = arith.addi %while3A_30, %while3A_31 : i32
    %while3A_33 = arith.constant 1 : i32
    %while3A_34 = arith.divsi %while3A_31, %while3A_33 : i32
    %while3A_35 = arith.muli %while3A_34, %while3A_33 : i32
    %while3A_36 = arith.addi %while3A_30, %while3A_35 : i32
    %while3A_37 = arith.constant 1 : i32
    scf.for %while3A_39 = %while3A_30 to %while3A_36 step %while3A_37  : i32 {
      %mul3A_40 = arith.muli %while3A_39, %while3A_29 : i32
      %add3A_41 = arith.addi %add3A, %mul3A_40 : i32
      %lt3A = arith.constant 16 : i32
      %lt3A_42 = arith.cmpi slt, %add3A_41, %lt3A : i32
      %mul3A_43 = arith.constant 2 : i32
      %mul3A_44 = arith.muli %mul3A_43, %add3A_41 : i32
      %sub3A_45 = arith.constant 16 : i32
      %sub3A_46 = arith.subi %add3A_41, %sub3A_45 : i32
      %select_n3A = arith.select %lt3A_42, %mul3A_44, %sub3A_46 : i32
      %dma_start3A = arith.constant 0 : i32
      %dma_start3A_47 = arith.constant 0 : i32
      %dma_start3A_48 = tpu.memref_slice %arg2[%select_n3A, %dma_start3A, %dma_start3A_47] : memref<32x64x512xf32, #tpu.memory_space<hbm>> -> memref<1x64x512xf32, #tpu.memory_space<hbm>>
      %dma_start3A_49 = tpu.memref_squeeze %dma_start3A_48 : memref<1x64x512xf32, #tpu.memory_space<hbm>> -> memref<64x512xf32, #tpu.memory_space<hbm>>
      %dma_start3A_50 = arith.constant 0 : i32
      %dma_start3A_51 = arith.constant 0 : i32
      %dma_start3A_52 = tpu.memref_slice %arg2[%select_n3A, %dma_start3A_50, %dma_start3A_51] : memref<32x64x512xf32, #tpu.memory_space<hbm>> -> memref<1x64x512xf32, #tpu.memory_space<hbm>>
      %dma_start3A_53 = tpu.memref_squeeze %dma_start3A_52 : memref<1x64x512xf32, #tpu.memory_space<hbm>> -> memref<64x512xf32, #tpu.memory_space<hbm>>
      tpu.enqueue_dma source(%dma_start3A_53 : memref<64x512xf32, #tpu.memory_space<hbm>>) target(%arg5 : memref<64x512xf32, #tpu.memory_space<vmem>>) target_semaphore(%arg6 : memref<!tpu.dma_semaphore, #tpu.memory_space<semaphore_mem>>)
      %dma_wait3A = arith.constant 0 : i32
      %dma_wait3A_54 = arith.constant 0 : i32
      %dma_wait3A_55 = tpu.memref_slice %arg2[%select_n3A, %dma_wait3A, %dma_wait3A_54] : memref<32x64x512xf32, #tpu.memory_space<hbm>> -> memref<1x64x512xf32, #tpu.memory_space<hbm>>
      %dma_wait3A_56 = tpu.memref_squeeze %dma_wait3A_55 : memref<1x64x512xf32, #tpu.memory_space<hbm>> -> memref<64x512xf32, #tpu.memory_space<hbm>>
      %dma_wait3A_57 = arith.constant 0 : i32
      %dma_wait3A_58 = arith.constant 0 : i32
      %dma_wait3A_59 = tpu.memref_slice %arg2[%select_n3A, %dma_wait3A_57, %dma_wait3A_58] : memref<32x64x512xf32, #tpu.memory_space<hbm>> -> memref<1x64x512xf32, #tpu.memory_space<hbm>>
      %dma_wait3A_60 = tpu.memref_squeeze %dma_wait3A_59 : memref<1x64x512xf32, #tpu.memory_space<hbm>> -> memref<64x512xf32, #tpu.memory_space<hbm>>
      tpu.wait_dma2 semaphore(%arg6 : memref<!tpu.dma_semaphore, #tpu.memory_space<semaphore_mem>>) src(%dma_wait3A_60 : memref<64x512xf32, #tpu.memory_space<hbm>>) dst(%arg5 : memref<64x512xf32, #tpu.memory_space<vmem>>)
      %add3A_61 = arith.constant 1008 : i32
      %add3A_62 = arith.addi %add3A_61, %add3A_41 : i32
      %dma_start3A_63 = arith.constant 0 : i32
      %dma_start3A_64 = arith.constant 0 : i32
      %dma_start3A_65 = tpu.memref_slice %arg3[%add3A_62, %dma_start3A_63, %dma_start3A_64] : memref<1056x64x512xf32, #tpu.memory_space<hbm>> -> memref<1x64x512xf32, #tpu.memory_space<hbm>>
      %dma_start3A_66 = tpu.memref_squeeze %dma_start3A_65 : memref<1x64x512xf32, #tpu.memory_space<hbm>> -> memref<64x512xf32, #tpu.memory_space<hbm>>
      %dma_start3A_67 = arith.constant 0 : i32
      %dma_start3A_68 = arith.constant 0 : i32
      %dma_start3A_69 = tpu.memref_slice %arg3[%add3A_62, %dma_start3A_67, %dma_start3A_68] : memref<1056x64x512xf32, #tpu.memory_space<hbm>> -> memref<1x64x512xf32, #tpu.memory_space<hbm>>
      %dma_start3A_70 = tpu.memref_squeeze %dma_start3A_69 : memref<1x64x512xf32, #tpu.memory_space<hbm>> -> memref<64x512xf32, #tpu.memory_space<hbm>>
      tpu.enqueue_dma source(%arg5 : memref<64x512xf32, #tpu.memory_space<vmem>>) target(%dma_start3A_70 : memref<64x512xf32, #tpu.memory_space<hbm>>) target_semaphore(%arg6 : memref<!tpu.dma_semaphore, #tpu.memory_space<semaphore_mem>>)
      %dma_wait3A_71 = arith.constant 0 : i32
      %dma_wait3A_72 = arith.constant 0 : i32
      %dma_wait3A_73 = tpu.memref_slice %arg3[%add3A_62, %dma_wait3A_71, %dma_wait3A_72] : memref<1056x64x512xf32, #tpu.memory_space<hbm>> -> memref<1x64x512xf32, #tpu.memory_space<hbm>>
      %dma_wait3A_74 = tpu.memref_squeeze %dma_wait3A_73 : memref<1x64x512xf32, #tpu.memory_space<hbm>> -> memref<64x512xf32, #tpu.memory_space<hbm>>
      %dma_wait3A_75 = arith.constant 0 : i32
      %dma_wait3A_76 = arith.constant 0 : i32
      %dma_wait3A_77 = tpu.memref_slice %arg3[%add3A_62, %dma_wait3A_75, %dma_wait3A_76] : memref<1056x64x512xf32, #tpu.memory_space<hbm>> -> memref<1x64x512xf32, #tpu.memory_space<hbm>>
      %dma_wait3A_78 = tpu.memref_squeeze %dma_wait3A_77 : memref<1x64x512xf32, #tpu.memory_space<hbm>> -> memref<64x512xf32, #tpu.memory_space<hbm>>
      tpu.wait_dma2 semaphore(%arg6 : memref<!tpu.dma_semaphore, #tpu.memory_space<semaphore_mem>>) src(%arg5 : memref<64x512xf32, #tpu.memory_space<vmem>>) dst(%dma_wait3A_78 : memref<64x512xf32, #tpu.memory_space<hbm>>)
    }
    %while3A_38 = arith.constant 1 : i32
    scf.for %while3A_39 = %while3A_36 to %while3A_32 step %while3A_38  : i32 {
      %mul3A_40 = arith.muli %while3A_39, %while3A_29 : i32
      %add3A_41 = arith.addi %add3A, %mul3A_40 : i32
      %lt3A = arith.constant 16 : i32
      %lt3A_42 = arith.cmpi slt, %add3A_41, %lt3A : i32
      %mul3A_43 = arith.constant 2 : i32
      %mul3A_44 = arith.muli %mul3A_43, %add3A_41 : i32
      %sub3A_45 = arith.constant 16 : i32
      %sub3A_46 = arith.subi %add3A_41, %sub3A_45 : i32
      %select_n3A = arith.select %lt3A_42, %mul3A_44, %sub3A_46 : i32
      %dma_start3A = arith.constant 0 : i32
      %dma_start3A_47 = arith.constant 0 : i32
      %dma_start3A_48 = tpu.memref_slice %arg2[%select_n3A, %dma_start3A, %dma_start3A_47] : memref<32x64x512xf32, #tpu.memory_space<hbm>> -> memref<1x64x512xf32, #tpu.memory_space<hbm>>
      %dma_start3A_49 = tpu.memref_squeeze %dma_start3A_48 : memref<1x64x512xf32, #tpu.memory_space<hbm>> -> memref<64x512xf32, #tpu.memory_space<hbm>>
      %dma_start3A_50 = arith.constant 0 : i32
      %dma_start3A_51 = arith.constant 0 : i32
      %dma_start3A_52 = tpu.memref_slice %arg2[%select_n3A, %dma_start3A_50, %dma_start3A_51] : memref<32x64x512xf32, #tpu.memory_space<hbm>> -> memref<1x64x512xf32, #tpu.memory_space<hbm>>
      %dma_start3A_53 = tpu.memref_squeeze %dma_start3A_52 : memref<1x64x512xf32, #tpu.memory_space<hbm>> -> memref<64x512xf32, #tpu.memory_space<hbm>>
      tpu.enqueue_dma source(%dma_start3A_53 : memref<64x512xf32, #tpu.memory_space<hbm>>) target(%arg5 : memref<64x512xf32, #tpu.memory_space<vmem>>) target_semaphore(%arg6 : memref<!tpu.dma_semaphore, #tpu.memory_space<semaphore_mem>>)
      %dma_wait3A = arith.constant 0 : i32
      %dma_wait3A_54 = arith.constant 0 : i32
      %dma_wait3A_55 = tpu.memref_slice %arg2[%select_n3A, %dma_wait3A, %dma_wait3A_54] : memref<32x64x512xf32, #tpu.memory_space<hbm>> -> memref<1x64x512xf32, #tpu.memory_space<hbm>>
      %dma_wait3A_56 = tpu.memref_squeeze %dma_wait3A_55 : memref<1x64x512xf32, #tpu.memory_space<hbm>> -> memref<64x512xf32, #tpu.memory_space<hbm>>
      %dma_wait3A_57 = arith.constant 0 : i32
      %dma_wait3A_58 = arith.constant 0 : i32
      %dma_wait3A_59 = tpu.memref_slice %arg2[%select_n3A, %dma_wait3A_57, %dma_wait3A_58] : memref<32x64x512xf32, #tpu.memory_space<hbm>> -> memref<1x64x512xf32, #tpu.memory_space<hbm>>
      %dma_wait3A_60 = tpu.memref_squeeze %dma_wait3A_59 : memref<1x64x512xf32, #tpu.memory_space<hbm>> -> memref<64x512xf32, #tpu.memory_space<hbm>>
      tpu.wait_dma2 semaphore(%arg6 : memref<!tpu.dma_semaphore, #tpu.memory_space<semaphore_mem>>) src(%dma_wait3A_60 : memref<64x512xf32, #tpu.memory_space<hbm>>) dst(%arg5 : memref<64x512xf32, #tpu.memory_space<vmem>>)
      %add3A_61 = arith.constant 1008 : i32
      %add3A_62 = arith.addi %add3A_61, %add3A_41 : i32
      %dma_start3A_63 = arith.constant 0 : i32
      %dma_start3A_64 = arith.constant 0 : i32
      %dma_start3A_65 = tpu.memref_slice %arg3[%add3A_62, %dma_start3A_63, %dma_start3A_64] : memref<1056x64x512xf32, #tpu.memory_space<hbm>> -> memref<1x64x512xf32, #tpu.memory_space<hbm>>
      %dma_start3A_66 = tpu.memref_squeeze %dma_start3A_65 : memref<1x64x512xf32, #tpu.memory_space<hbm>> -> memref<64x512xf32, #tpu.memory_space<hbm>>
      %dma_start3A_67 = arith.constant 0 : i32
      %dma_start3A_68 = arith.constant 0 : i32
      %dma_start3A_69 = tpu.memref_slice %arg3[%add3A_62, %dma_start3A_67, %dma_start3A_68] : memref<1056x64x512xf32, #tpu.memory_space<hbm>> -> memref<1x64x512xf32, #tpu.memory_space<hbm>>
      %dma_start3A_70 = tpu.memref_squeeze %dma_start3A_69 : memref<1x64x512xf32, #tpu.memory_space<hbm>> -> memref<64x512xf32, #tpu.memory_space<hbm>>
      tpu.enqueue_dma source(%arg5 : memref<64x512xf32, #tpu.memory_space<vmem>>) target(%dma_start3A_70 : memref<64x512xf32, #tpu.memory_space<hbm>>) target_semaphore(%arg6 : memref<!tpu.dma_semaphore, #tpu.memory_space<semaphore_mem>>)
      %dma_wait3A_71 = arith.constant 0 : i32
      %dma_wait3A_72 = arith.constant 0 : i32
      %dma_wait3A_73 = tpu.memref_slice %arg3[%add3A_62, %dma_wait3A_71, %dma_wait3A_72] : memref<1056x64x512xf32, #tpu.memory_space<hbm>> -> memref<1x64x512xf32, #tpu.memory_space<hbm>>
      %dma_wait3A_74 = tpu.memref_squeeze %dma_wait3A_73 : memref<1x64x512xf32, #tpu.memory_space<hbm>> -> memref<64x512xf32, #tpu.memory_space<hbm>>
      %dma_wait3A_75 = arith.constant 0 : i32
      %dma_wait3A_76 = arith.constant 0 : i32
      %dma_wait3A_77 = tpu.memref_slice %arg3[%add3A_62, %dma_wait3A_75, %dma_wait3A_76] : memref<1056x64x512xf32, #tpu.memory_space<hbm>> -> memref<1x64x512xf32, #tpu.memory_space<hbm>>
      %dma_wait3A_78 = tpu.memref_squeeze %dma_wait3A_77 : memref<1x64x512xf32, #tpu.memory_space<hbm>> -> memref<64x512xf32, #tpu.memory_space<hbm>>
      tpu.wait_dma2 semaphore(%arg6 : memref<!tpu.dma_semaphore, #tpu.memory_space<semaphore_mem>>) src(%arg5 : memref<64x512xf32, #tpu.memory_space<vmem>>) dst(%dma_wait3A_78 : memref<64x512xf32, #tpu.memory_space<hbm>>)
    }
    return
  }
}

</mosaic_0001>

<sc_bundles>
// kernel: kernel.3.cloned.1.call-start
scs
__scs_entry_jumppad:
0x0: {  	(pc) =	sbr.rel $0x88, $3  }
0x1: {  	(tag) =	ssettag $0x0;
	lr =	simm.s32 $0x1  }
0x2: {  	[smem:$0x3FA0] =	sst lr;
	_ =	strace $0xD0000000  }
0x3: {  	_ = 	snop  }
0x4: {  	_ = 	snop  }
0x5: {  	_ = 	snop  }
0x6: {  	_ = 	snop  }
0x7: {  	_ = 	snop  }
__scs_overlays_trampoline_lowered:
0x8: {  	[smem:$0x3FAF] =	sst s0  }
0x9: {  	[smem:$0x3FB0] =	sst s1  }
0xa: {  	[smem:$0x3FB1] =	sst s2  }
0xb: {  	[smem:$0x3FB2] =	sst s3  }
0xc: {  	[smem:$0x3FB3] =	sst s4  }
0xd: {  	[smem:$0x3FB4] =	sst s5  }
0xe: {  	[smem:$0x3FB5] =	sst s6  }
0xf: {  	[smem:$0x3FB6] =	sst s7  }
0x10: {  	[smem:$0x3FB7] =	sst s8  }
0x11: {  	[smem:$0x3FB8] =	sst s9;
	s0 =	simm.s32 @!p0 $0x0  }
0x12: {  	s1 =	sld [smem:$0x3F9E];
	s0 =	simm.s32 @p0 $0x1  }
0x13: {  	[smem:$0x3FB9] =	sst s0;
	s0 =	simm.s32 @!p1 $0x0  }
0x14: {  	s2 =	sld [smem:$0x3F9D];
	s0 =	simm.s32 @p1 $0x1  }
0x15: {  	[smem:$0x3FBA] =	sst s0;
	s0 =	simm.s32 @!p2 $0x0  }
0x16: {  	s3 =	sld [smem:$0x3FDB];
	s0 =	simm.s32 @p2 $0x1  }
0x17: {  	s4 =	simm.s32 $0x1BF5;
	[smem:$0x3FBC] =	sst s0  }
0x18: {  	s0 =	sld [smem:$0x3F9F];
	_ =	swait.ge [sflag:s4], $0x0  }
0x19: {  	s7 =	sld [smem:$0x3FA0]  }
0x1a: {  	s8 =	sadd.s32 $0xFFFFE003, lr  }
0x1b: {  	s9 =	sadd.s32 $0xFFFFFEF7, lr;
	s5 =	simm.s32 $0xFFFFFFFF;
	p2 =	slt.u32 s8, $0xFFFFF086  }
0x1c: {  	p1 =	slt.u32 s9, $0xF7A;
	s5 =	simm.s32 @!p2 $0x0  }
0x1d: {  	s5 =	simm.s32 @p1 $0x1;
	p0 =	seq.s32 s7, s2  }
0x1e: {  	s7 =	smul.u32 @!p0 $0xF7A, s2;
	p2 =	seq.s32 @!p0 s5, $0x0  }
0x1f: {  	s9 =	smul.u32 $0xF7A, s1;
	s8 =	simm.s32 @!p0 $0x1BF5;
	p2 =	por !p2, p0  }
0x20: {  	[sflag:s8] =	ssyncset.s32 @!p0 $0xFFFFF086;
	s6 =	sadd.s32 @!p0 s3, s7;
	s7 =	simm.s32 @!p0 $0x108  }
0x21: {  	s3 =	sadd.s32 s3, s9;
	s6 =	sadd.s32 @!p0 $0x88, s6;
	s7 =	simm.s32 @p2 $0x1082  }
0x22: {  	[simem:s7], [sflag:s8] =	dma.local @!p0 [hbm:s6], $0xF7A  }
0x23: {  	s9 =	sor.u32 $0xD0000000, s2;
	s6 =	simm.s32 $0x108;
	_ =	swait.ge @!p0 [sflag:s8], $0x0  }
0x24: {  	s3 =	sadd.s32 $0x88, s3;
	s6 =	simm.s32 @!p1 $0x1082;
	[sflag:s4] =	ssyncset.s32 $0xFFFFF086  }
0x25: {  	[simem:s6], [sflag:s4] =	dma.local [hbm:s3], $0xF7A  }
0x26: {  	[smem:$0x3FA0] =	sst s1;
	(tag) =	ssettag s2;
	_ =	strace s9  }
0x27: {  	s1 =	sld [smem:$0x3FB0]  }
0x28: {  	s2 =	sld [smem:$0x3FB1]  }
0x29: {  	s4 =	sld [smem:$0x3FB3]  }
0x2a: {  	p0 =	seq.s32 s5, $0x0;
	s5 =	sld [smem:$0x3FB4]  }
0x2b: {  	s6 =	sld [smem:$0x3FB5]  }
0x2c: {  	s7 =	sld [smem:$0x3FB6]  }
0x2d: {  	s3 =	simm.s32 $0x108;
	s8 =	sld [smem:$0x3FB7]  }
0x2e: {  	s3 =	simm.s32 @!p0 $0x1082;
	s9 =	sld [smem:$0x3FB8]  }
0x2f: {  	lr =	sadd.s32 s0, s3;
	s0 =	sld [smem:$0x3FAF]  }
0x30: {  	s3 =	sld [smem:$0x3FB2]  }
0x31: {  	[smem:$0x3FBB] =	sst s10  }
0x32: {  	s10 =	sld [smem:$0x3FB9];
	_ =	sdelay $0x3  }
0x33: {  	p0 =	seq.s32 s10, $0x1;
	s10 =	sld [smem:$0x3FBB];
	_ =	sdelay $0x3  }
0x34: {  	[smem:$0x3FBB] =	sst s10  }
0x35: {  	s10 =	sld [smem:$0x3FBA];
	_ =	sdelay $0x3  }
0x36: {  	p1 =	seq.s32 s10, $0x1;
	s10 =	sld [smem:$0x3FBB];
	_ =	sdelay $0x3  }
0x37: {  	[smem:$0x3FBB] =	sst s10  }
0x38: {  	s10 =	sld [smem:$0x3FBC]  }
0x39: {  	_ = 	snop;
	(pc) =	sbr.ind lr, $3  }
0x3a: {  	_ = 	snop  }
0x3b: {  	_ = 	snop  }
0x3c: {  	p2 =	seq.s32 s10, $0x1;
	s10 =	sld [smem:$0x3FBB]  }
0x3d: {  	_ =	shalt  }
0x3e: {  	_ =	shalt  }
0x3f: {  	_ =	shalt  }
0x40: {  	_ =	shalt  }
0x41: {  	_ =	shalt  }
0x42: {  	_ =	shalt  }
0x43: {  	_ =	shalt  }
0x44: {  	_ =	shalt  }
0x45: {  	_ =	shalt  }
0x46: {  	_ =	shalt  }
0x47: {  	_ =	shalt  }
0x48: {  	_ =	shalt  }
0x49: {  	_ =	shalt  }
0x4a: {  	_ =	shalt  }
0x4b: {  	_ =	shalt  }
0x4c: {  	_ =	shalt  }
0x4d: {  	_ =	shalt  }
0x4e: {  	_ =	shalt  }
0x4f: {  	_ =	shalt  }
0x50: {  	_ =	shalt  }
0x51: {  	_ =	shalt  }
0x52: {  	_ =	shalt  }
0x53: {  	_ =	shalt  }
0x54: {  	_ =	shalt  }
0x55: {  	_ =	shalt  }
0x56: {  	_ =	shalt  }
0x57: {  	_ =	shalt  }
0x58: {  	_ =	shalt  }
0x59: {  	_ =	shalt  }
0x5a: {  	_ =	shalt  }
0x5b: {  	_ =	shalt  }
0x5c: {  	_ =	shalt  }
0x5d: {  	_ =	shalt  }
0x5e: {  	_ =	shalt  }
0x5f: {  	_ =	shalt  }
0x60: {  	_ =	shalt  }
0x61: {  	_ =	shalt  }
0x62: {  	_ =	shalt  }
0x63: {  	_ =	shalt  }
0x64: {  	_ =	shalt  }
0x65: {  	_ =	shalt  }
0x66: {  	_ =	shalt  }
0x67: {  	_ =	shalt  }
0x68: {  	_ =	shalt  }
0x69: {  	_ =	shalt  }
0x6a: {  	_ =	shalt  }
0x6b: {  	_ =	shalt  }
0x6c: {  	_ =	shalt  }
0x6d: {  	_ =	shalt  }
0x6e: {  	_ =	shalt  }
0x6f: {  	_ =	shalt  }
0x70: {  	_ =	shalt  }
0x71: {  	_ =	shalt  }
0x72: {  	_ =	shalt  }
0x73: {  	_ =	shalt  }
0x74: {  	_ =	shalt  }
0x75: {  	_ =	shalt  }
0x76: {  	_ =	shalt  }
0x77: {  	_ =	shalt  }
0x78: {  	_ =	shalt  }
0x79: {  	_ =	shalt  }
0x7a: {  	_ =	shalt  }
0x7b: {  	_ =	shalt  }
0x7c: {  	_ =	shalt  }
0x7d: {  	_ =	shalt  }
0x7e: {  	_ =	shalt  }
0x7f: {  	_ =	shalt  }
0x80: {  	_ =	shalt  }
0x81: {  	_ =	shalt  }
0x82: {  	_ =	shalt  }
0x83: {  	_ =	shalt  }
0x84: {  	_ =	shalt  }
0x85: {  	_ =	shalt  }
0x86: {  	_ =	shalt  }
0x87: {  	_ =	shalt  }
.Lfunc_end0:
.L_simem_size_0:
called_computation_lowered:
.L_overlay_start_0:
0x88: {  	s2 =	sld [smem:$0x3FD9]  }
0x89: {  	s3 =	sld [smem:$0x3FFE];
	_ =	sdelay $0x1  }
0x8a: {  	s1 =	srdreg.scid  }
0x8b: {  	s0 =	sand.u32 $0x1, s1  }
0x8c: {  	s18 =	sshll.u32 s0, $0xA;
	s2 =	sadd.s32 s3, s2  }
0x8d: {  	s2 =	sadd.s32 s2, s18  }
0x8e: {  	[smem:$0x3FC7] =	sst s2  }
0x8f: {  	_ = 	snop  }
0x90: {  	s2 =	sld [smem:$0x3FC9]  }
0x91: {  	s19 =	sld [smem:$0x3FD0];
	(tm) =	ssettm $0x1  }
0x92: {  	s4 =	sld [smem:$0x3FFB];
	_ =	sdelay $0x3  }
0x93: {  	_ =	strace s4  }
0x94: {  	s4 =	sld [smem:$0x3FFC];
	_ =	sdelay $0x3  }
0x95: {  	_ =	strace s4  }
0x96: {  	s4 =	sld [smem:$0x3FFD];
	_ =	sdelay $0x3  }
0x97: {  	_ =	strace s4  }
0x98: {  	_ =	strace $0x8FFFFFFF  }
0x99: {  	s20 =	sld [smem:$0x3FDB];
	_ =	sdelay $0x1  }
0x9a: {  	s5 =	simm.s32 $_scs_section_size  }
0x9b: {  	s6 =	simm.s32 $_size__tile_overlayer_lowered;
	s7 =	simm.s32 $_tile_overlayer_lowered  }
0x9c: {  	s23 =	simm.s32 $0x1BFF;
	s22 =	sshll.u32 s7, $0x1;
	s4 =	sadd.s32 s5, s20  }
0x9d: {  	s8 =	simm.s32 $0x0;
	s21 =	sshll.u32 s6, $0x1;
	s6 =	sadd.s32 s22, s4  }
0x9e: {  	[timem:s8], [sflag:s23] =	dma.local [hbm:s6], s21  }
0x9f: {  	_ =	swait.ge [sflag:s23], s21  }
0xa0: {  	s5 =	ssub.s32 $0x0, s21;
	[sflag:s23] =	ssyncset.done $0x0  }
0xa1: {  	[sflag:s23] =	ssyncadd.s32 s5;
	_ =	sdelay $0x1  }
0xa2: {  	s24 =	simm.s32 $0x1B8B  }
0xa3: {  	_ =	swait.ge [sflag:s24], $0x1  }
0xa4: {  	[sflag:s24] =	ssyncset.done $0x0  }
0xa5: {  	s25 =	simm.s32 $0x1B8E;
	[sflag:s24] =	ssyncadd.s32 $0xFFFFFFFF  }
0xa6: {  	s26 =	simm.s32 $execute0_lowered;
	[smem:$0x3FD2] =	sst s25  }
0xa7: {  	s5 =	sshll.u32 s26, $0x1;
	_ =	strace $0x80000046;
	[dreg:$0x1] =	wrdreg $0xFFFFFFFF  }
0xa8: {  	s28 =	simm.s32 $_size_execute0_lowered;
	s4 =	sadd.s32 s4, s5;
	[dreg:$0x0] =	wrdreg $0x0  }
0xa9: {  	s5 =	sshll.u32 s28, $0x1;
	[dreg:$0x2] =	wrdreg s4  }
0xaa: {  	[dreg:$0x3] =	wrdreg s5  }
0xab: {  	[dreg:$0x4] =	wrdreg $0xC0  }
0xac: {  	_ =	task [dreg:s8], $0x5FFFF  }
0xad: {  	[dreg:$0x1] =	wrdreg $0xFFFFFFFF  }
0xae: {  	[dreg:$0x0] =	wrdreg $0x60  }
0xaf: {  	[dreg:$0x2] =	wrdreg s2  }
0xb0: {  	[dreg:$0x3] =	wrdreg s19  }
0xb1: {  	[dreg:$0x4] =	wrdreg $0x9  }
0xb2: {  	_ =	task.clear_ibuf [dreg:s8], $0x5FFFF;
	_ =	strace $0x90000046  }
0xb3: {  	s29 =	simm.s32 $0x9;
	_ =	strace $0x80000048  }
0xb4: {  	_ =	swait.ge [sflag:s29], $0x1  }
0xb5: {  	[sflag:s29] =	ssyncadd.s32 $0xFFFFFFFF  }
0xb6: {  	_ =	strace $0x90000048  }
0xb7: {  	_ =	sfence  }
0xb8: {  	s30 =	sld [smem:$0x0];
	_ =	sdelay $0x2  }
0xb9: {  	s31 =	sshll.u32 s1, $0xD;
	s1 =	sshrl.u32 s1, $0x2  }
0xba: {  	s3 =	sand.u32 $0x4000, s31;
	s1 =	sadd.s32 s1, s30  }
0xbb: {  	s0 =	sor.u32 s3, s0;
	s1 =	sshll.u32 s1, $0x11  }
0xbc: {  	s0 =	sor.u32 s1, s0  }
0xbd: {  	s0 =	sadd.s32 $0x8F2B, s0  }
0xbe: {  	[sflag:s0] =	ssyncadd.remote.s32 $0x1  }
0xbf: {  	_ =	sfence.sel $0xFFFF  }
0xc0: {  	[dreg:$0x0] =	wrdreg $0xFFFFFFFF;
	(pc) =	sbr.abs _section_cstart, $3  }
0xc1: {  	[dreg:$0x1] =	wrdreg $0xFFFFFFFF  }
0xc2: {  	_ =	task.clear_ibuf [dreg:s8], $0x2FFFF;
	_ =	strace $0x9FFFFFFF  }
0xc3: {  	(tm) =	ssettm $0x7FFFFFFF  }
tec
execute0_lowered:
.L_overlay_start_1:
0x0: {  	(tag) =	ssettag $0x1  }
0x1: {  	s1 =	rddreg [dreg:$0x0]  }
0x2: {  	s2 =	rddreg [dreg:$0x1]  }
0x3: {  	s3 =	srdreg.scid;
	s0 =	rddreg [dreg:$0x2];
	s4 =	simm.s32 $0x0  }
0x4: {  	s14 =	simm.s32 $0x0;
	s9 =	sand.u32 $0x1, s3;
	s3 =	stileid.u32  }
0x5: {  	[smem:$0x7FF] =	sst s4;
	s5 =	ssub.s32 $0x2, s9;
	s7 =	sshll.u32 s3, $0x1  }
0x6: {  	_ =	strace $0x80000047;
	s8 =	sshll.u32 s3, $0x11;
	s10 =	sshll.u32 s9, $0x10  }
0x7: {  	s11 =	sshll.u32 s3, $0x10;
	s12 =	sshll.u32 s9, $0xF;
	s31 =	sshll.u32 s3, $0x2  }
0x8: {  	s13 =	sshll.u32 s9, $0x1;
	s6 =	sshrl.u32 s5, $0x1;
	s8 =	sor.u32 s10, s8  }
0x9: {  	s11 =	sor.u32 s12, s11;
	s12 =	simm.s32 $0x1;
	s6 =	ssub.s32 s5, s6  }
0xa: {  	s5 =	sor.u32 s9, s7;
	s10 =	sadd.s32 $0x1F80000, s11;
	s11 =	sor.u32 s13, s31  }
0xb: {  	s13 =	simm.s32 $0x10000;
	s7 =	ssub.s32 $0x217, s5;
	s30 =	ssub.s32 $0x4F, s5  }
0xc: {  	v0 =	vimm.f32 $0.0e+00;
	s6 =	smax.u32 s6, $0x1;
	s7 =	sshrl.u32 s7, $0x5;
	s9 =	sshrl.u32 s30, $0x5  }
.LBB2_1:
0xd: {  	s16 =	simm.s32 $0x0  }
.LBB2_2:
0xe: {  	s15 =	sshll.u32 s16, $0x9;
	s17 =	sshll.u32 s16, $0x7  }
0xf: {  	s18 =	sand.u32 $0x7000, s15;
	s17 =	sand.u32 $0x380, s17;
	s15 =	simm.s32 $0x0  }
0x10: {  	s17 =	sor.u32 s17, s18;
	s31 =	sand.u32 $0xC00, s15  }
0x11: {  	s19 =	sand.u32 $0x70, s15;
	s20 =	sadd.s32 s31, s17  }
0x12: {  	s18 =	simm.s32 $0x10;
	s19 =	sadd.s32 s19, s20  }
.LBB2_3:
0x13: {  	p0 =	sne.s32 s18, $0x1F0  }
0x14: {  	[tilespmem:s19+$0x0] =	vst v0;
	s15 =	sadd.s32 $0x80, s15;
	s19 =	smov.u32 s18;
	s18 =	sadd.s32 $0x10, s18  }
.Ltmp0:
0x15: {  	(pc) =	sbr.rel @p0 .LBB2_3-.Ltmp0, $4  }
0x16: {  	_ = 	snop  }
0x17: {  	s20 =	sand.u32 $0xC00, s15  }
0x18: {  	s19 =	sand.u32 $0x70, s19;
	s20 =	sadd.s32 s20, s17  }
0x19: {  	s19 =	sadd.s32 s19, s20  }
0x1a: {  	s16 =	sadd.s32 $0x1, s16  }
0x1b: {  	p0 =	sne.s32 s16, $0x40  }
.Ltmp1:
0x1c: {  	_ = 	snop;
	(pc) =	sbr.rel @p0 .LBB2_2-.Ltmp1, $2  }
0x1d: {  	_ =	sdelay $0x2  }
0x1e: {  	[tilespmem:s19+$0x0] =	vst v0;
	s15 =	simm.s32 $0x0  }
0x1f: {  	s16 =	simm.s32 $0x0  }
.LBB2_6:
0x20: {  	s17 =	sshll.u32 s16, $0x9;
	s18 =	sshll.u32 s16, $0x7  }
0x21: {  	s17 =	sand.u32 $0x7000, s17;
	s18 =	sand.u32 $0x380, s18  }
0x22: {  	s17 =	sor.u32 s18, s17  }
0x23: {  	s31 =	sand.u32 $0xC00, s15;
	s17 =	sor.u32 $0x8000, s17  }
0x24: {  	s19 =	sand.u32 $0x70, s15;
	s20 =	sadd.s32 s31, s17  }
0x25: {  	s18 =	simm.s32 $0x10;
	s20 =	sadd.s32 s19, s20;
	s19 =	simm.s32 $0x0  }
.LBB2_7:
0x26: {  	p0 =	sne.s32 s18, $0x1F0  }
0x27: {  	[tilespmem:s20+$0x0] =	vst v0;
	s19 =	sadd.s32 $0x80, s19;
	s20 =	smov.u32 s18;
	s18 =	sadd.s32 $0x10, s18  }
.Ltmp2:
0x28: {  	(pc) =	sbr.rel @p0 .LBB2_7-.Ltmp2, $4  }
0x29: {  	_ = 	snop  }
0x2a: {  	s21 =	sand.u32 $0xC00, s19  }
0x2b: {  	s20 =	sand.u32 $0x70, s20;
	s21 =	sadd.s32 s21, s17  }
0x2c: {  	s20 =	sadd.s32 s20, s21  }
0x2d: {  	s16 =	sadd.s32 $0x1, s16  }
0x2e: {  	p0 =	sne.s32 s16, $0x40  }
.Ltmp3:
0x2f: {  	_ = 	snop;
	(pc) =	sbr.rel @p0 .LBB2_6-.Ltmp3, $2  }
0x30: {  	_ =	sdelay $0x2  }
0x31: {  	[tilespmem:s20+$0x0] =	vst v0  }
0x32: {  	p0 =	sne.s32 s7, $0x1  }
.Ltmp4:
0x33: {  	_ = 	snop;
	(pc) =	sbr.rel @!p0 .LBB2_11-.Ltmp4, $4  }
0x34: {  	s15 =	sshrl.u32 s8, $0x3  }
0x35: {  	s15 =	sadd.s32 s2, s15  }
0x36: {  	[hbm4b:s15+s4] =	stream.linear.scatter [tilespmem:s4], [sflag:$0x1], $0x10000, $0x38;
	[tilespmem:$0x18000] =	vst v63  }
0x37: {  	s16 =	sadd.s32 $0x200000, s8;
	s15 =	sadd.s32 $0xFFFFFFFF, s7;
	_ =	swait.ge [sflag:s12], $0x10000  }
.LBB2_10:
0x38: {  	s17 =	sshrl.u32 s16, $0x3;
	[sflag:s12] =	ssyncset.done $0x0;
	p0 =	sne.s32 s15, $0x1  }
.Ltmp5:
0x39: {  	s17 =	sadd.s32 s2, s17;
	[sflag:s12] =	ssyncadd.s32 $0xFFFF0000;
	(pc) =	sbr.rel @p0 .LBB2_10-.Ltmp5, $3  }
0x3a: {  	[hbm4b:s17+s4] =	stream.linear.scatter [tilespmem:s4], [sflag:$0x1], $0x10000, $0x38;
	[tilespmem:$0x18000] =	vst v63  }
0x3b: {  	s15 =	sadd.s32 $0xFFFFFFFF, s15;
	_ =	sdelay $0x1  }
0x3c: {  	s16 =	sadd.s32 $0x200000, s16;
	_ =	swait.ge [sflag:s12], $0x10000  }
.LBB2_11:
0x3d: {  	p1 =	sne.s32 s9, $0x1  }
.Ltmp6:
0x3e: {  	_ = 	snop;
	(pc) =	sbr.rel @!p1 .LBB2_12-.Ltmp6, $4  }
0x3f: {  	_ = 	snop  }
0x40: {  	p0 =	slt.u32 s5, $0x10;
	s15 =	sadd.s32 $0x1FFF0, s5  }
0x41: {  	[sflag:s12] =	ssyncset.done $0x0;
	s17 =	sadd.s32 $0xFFFFFFFF, s9;
	s15 =	smov.u32 @p0 s11  }
0x42: {  	[sflag:s12] =	ssyncadd.s32 $0xFFFF0000;
	p0 =	por $0x0, $0x0;
	s19 =	sshll.u32 s15, $0xC  }
0x43: {  	s15 =	sand.u32 $0x1FFFF000, s19  }
0x44: {  	s16 =	sadd.s32 $0x40, s11;
	s18 =	sshrl.u32 s10, $0x3;
	s15 =	sadd.s32 s1, s15  }
0x45: {  	[tilespmem:s13], [sflag:$0x1] =	stream.linear.gather [hbm4b:s15+s4], $0x8000, $0x38;
	[tilespmem:$0x18000] =	vst v63  }
0x46: {  	p1 =	sne.s32 s17, $0x1;
	s15 =	sadd.s32 $0x20, s5;
	_ =	swait.ge [sflag:s12], $0x8000  }
.Ltmp7:
0x47: {  	p0 =	slt.u32 s15, $0x10;
	s19 =	sadd.s32 $0x1FFF0, s15;
	(pc) =	sbr.rel @!p1 .LBB2_14-.Ltmp7, $4  }
0x48: {  	s18 =	sadd.s32 s2, s18;
	[sflag:s12] =	ssyncset.done $0x0;
	s19 =	smov.u32 @p0 s16  }
0x49: {  	p0 =	por $0x1, $0x1;
	[sflag:s12] =	ssyncadd.s32 $0xFFFF8000;
	s19 =	sshll.u32 s19, $0xC  }
0x4a: {  	[hbm4b:s18+s4] =	stream.linear.scatter [tilespmem:s13], [sflag:$0x1], $0x8000, $0x38;
	[tilespmem:$0x18000] =	vst v63  }
0x4b: {  	s18 =	sadd.s32 $0xFFFFFFFF, s17;
	s17 =	smov.u32 s10;
	_ =	swait.ge [sflag:s12], $0x8000  }
.LBB2_15:
0x4c: {  	s19 =	sand.u32 $0x1FFFF000, s19;
	[sflag:s12] =	ssyncset.done $0x0;
	s17 =	sadd.s32 $0x100000, s17  }
0x4d: {  	p1 =	sne.s32 s18, $0x1;
	s19 =	sadd.s32 s1, s19;
	[sflag:s12] =	ssyncadd.s32 $0xFFFF8000  }
0x4e: {  	[tilespmem:s13], [sflag:$0x1] =	stream.linear.gather [hbm4b:s19+s4], $0x8000, $0x38;
	[tilespmem:$0x18000] =	vst v63  }
0x4f: {  	s15 =	sadd.s32 $0x20, s15;
	s16 =	sadd.s32 $0x40, s16;
	_ =	swait.ge [sflag:s12], $0x8000  }
.Ltmp8:
0x50: {  	s19 =	sshrl.u32 s17, $0x3;
	[sflag:s12] =	ssyncset.done $0x0;
	(pc) =	sbr.rel @p1 .LBB2_15-.Ltmp8, $4  }
0x51: {  	p2 =	slt.u32 s15, $0x10;
	s20 =	sadd.s32 $0x1FFF0, s15;
	[sflag:s12] =	ssyncadd.s32 $0xFFFF8000  }
0x52: {  	s18 =	sadd.s32 $0xFFFFFFFF, s18;
	s20 =	smov.u32 @p2 s16;
	s19 =	sadd.s32 s2, s19  }
0x53: {  	[hbm4b:s19+s4] =	stream.linear.scatter [tilespmem:s13], [sflag:$0x1], $0x8000, $0x38;
	[tilespmem:$0x18000] =	vst v63  }
0x54: {  	s19 =	sshll.u32 s20, $0xC;
	_ =	swait.ge [sflag:s12], $0x8000  }
.LBB2_16:
0x55: {  	s15 =	sand.u32 $0x1FFFF000, s19;
	[sflag:s12] =	ssyncset.done @p0 $0x0  }
0x56: {  	s15 =	sadd.s32 s1, s15;
	[sflag:s12] =	ssyncadd.s32 @p0 $0xFFFF8000  }
0x57: {  	[tilespmem:s13], [sflag:$0x1] =	stream.linear.gather [hbm4b:s15+s4], $0x8000, $0x38;
	[tilespmem:$0x18000] =	vst v63  }
0x58: {  	s16 =	sadd.s32 @p0 $0x100000, s17;
	s15 =	smov.u32 s10  }
0x59: {  	_ =	swait.ge [sflag:s12], $0x8000;
	s15 =	smov.u32 @p0 s16  }
0x5a: {  	s14 =	sadd.s32 $0x1, s14;
	[sflag:s12] =	ssyncset.done $0x0;
	s15 =	sshrl.u32 s15, $0x3  }
0x5b: {  	p0 =	sne.s32 s14, s6;
	[sflag:s12] =	ssyncadd.s32 $0xFFFF8000;
	s15 =	sadd.s32 s2, s15  }
0x5c: {  	[hbm4b:s15+s4] =	stream.linear.scatter [tilespmem:s13], [sflag:$0x1], $0x8000, $0x38;
	[tilespmem:$0x18000] =	vst v63  }
.Ltmp9:
0x5d: {  	_ = 	snop;
	(pc) =	sbr.rel @p0 .LBB2_1-.Ltmp9, $4  }
.Ltmp10:
0x5e: {  	_ = 	snop;
	(pc) =	sbr.rel @!p0 .LBB2_17-.Ltmp10, $4  }
0x5f: {  	_ =	swait.ge [sflag:s12], $0x8000  }
0x60: {  	[sflag:s12] =	ssyncset.done $0x0  }
0x61: {  	[sflag:s12] =	ssyncadd.s32 $0xFFFF8000  }
0x62: {  	_ = 	snop  }
.LBB2_12:
.Ltmp11:
0x63: {  	(pc) =	sbr.rel .LBB2_16-.Ltmp11, $2  }
0x64: {  	_ =	sdelay $0x2  }
0x65: {  	s17 =	smov.u32 s10  }
.LBB2_14:
.Ltmp12:
0x66: {  	(pc) =	sbr.rel .LBB2_16-.Ltmp12, $2  }
0x67: {  	_ =	sdelay $0x2  }
0x68: {  	s17 =	smov.u32 s10  }
.LBB2_17:
0x69: {  	_ =	sfence.sel $0x180000  }
0x6a: {  	[bflag:$0x0] =	sbarrier.arrive $0xFFFF  }
0x6b: {  	p0 =	sne.s32 s3, $0x0;
	_ =	strace $0x90000047  }
0x6c: {  	s0 =	sadd.s32 @!p0 $0x100000, s0;
	[bflag:$0x2] =	sbarrier.arrive $0xFFFF  }
0x6d: {  	[sflag:s0] =	ssyncadd.tile.s32 @!p0 $0x1;
	_ =	shalt  }
.Lfunc_end2:
_tile_overlayer_lowered:
.L_overlay_start_2:
0x6e: {  	(tag) =	ssettag $0x2  }
0x6f: {  	s0 =	rddreg [dreg:$0x0];
	s2 =	stileid.u32  }
0x70: {  	s1 =	rddreg [dreg:$0x1];
	p0 =	sne.s32 s2, $0x0  }
0x71: {  	s3 =	rddreg [dreg:$0x2];
	[bflag:$0x3] =	sbarrier.arrive $0xFFFF;
	s2 =	simm.s32 @!p0 $0x1C02  }
0x72: {  	[timem:s3], [sflag:s2] =	dma.local @!p0 [hbm:s0], s1  }
0x73: {  	s0 =	simm.s32 @!p0 $0x2  }
0x74: {  	_ =	swait.ge @!p0 [sflag:s0], s1  }
0x75: {  	s1 =	ssub.s32 @!p0 $0x0, s1;
	[sflag:s0] =	ssyncset.done @!p0 $0x0  }
0x76: {  	[sflag:s0] =	ssyncadd.s32 @!p0 s1  }
0x77: {  	[bflag:$0x3] =	sbarrier.arrive $0xFFFF  }
0x78: {  	_ =	shalt  }

</sc_bundles>
